<compile_context>
chip_gen: v7x
topology: tpu7x:2x2x1
jax: 0.10.2.dev20260603
libtpu: 0.0.44.dev20260713+nightly
codegen_flags: <defaults>
</compile_context>

<pallas_src>
import dataclasses
import functools
import math

import jax
import jax.numpy as jnp
from jax.experimental import pallas as pl
from jax.experimental.pallas import tpu as pltpu
from jax.experimental.pallas import tpu_sc as plsc

_SIZE = 32000
_PAD_ID = 0
_SMOOTHING = 0.1
_CONF = 1.0 - _SMOOTHING
_EPS = _SMOOTHING / (_SIZE - 2)
_C0 = _CONF * math.log(_CONF) + _SMOOTHING * math.log(_EPS)

_BR = 512
_BC = 6400

_N = 4096
_NS = 16
_RPW = _N // _NS
_L = 16
_NCH = _RPW // _L


def _tc_body(tgt_ref, x_ref, o_ref):
    i = pl.program_id(0)
    j = pl.program_id(1)

    @pl.when((i == 0) & (j == 0))
    def _init():
        o_ref[...] = jnp.zeros((1, 1), jnp.float32)

    xb = x_ref[...]
    t = tgt_ref[0, 0, :]
    valid = t != _PAD_ID
    psum = jnp.sum(xb, axis=1)
    contrib = -_EPS * jnp.sum(jnp.where(valid, psum, 0.0))
    o_ref[...] += contrib.reshape(1, 1)


def _sc_body(xflat_hbm, tgt_hbm, out_hbm,
             tgt_v, idxt_v, idx0_v, xt_v, x0_v, acc_v, sem):
    cid = jax.lax.axis_index("c")
    sid = jax.lax.axis_index("s")

    @pl.when(cid == 0)
    def _work():
        base = sid * _RPW
        pltpu.sync_copy(tgt_hbm.at[pl.ds(base, _RPW)], tgt_v)

        lane = jax.lax.broadcasted_iota(jnp.int32, (_L,), 0)

        @pl.loop(0, _NCH)
        def _(c):
            sl = pl.ds(c * _L, _L)
            t = tgt_v[sl]
            row = base + c * _L + lane
            idx0_v[sl] = row * _SIZE
            idxt_v[sl] = row * _SIZE + t

        pltpu.async_copy(xflat_hbm.at[idxt_v.at[pl.ds(0, 128)]],
                         xt_v.at[pl.ds(0, 128)], sem).wait()
        pltpu.async_copy(xflat_hbm.at[idxt_v.at[pl.ds(128, 128)]],
                         xt_v.at[pl.ds(128, 128)], sem).wait()
        pltpu.async_copy(xflat_hbm.at[idx0_v.at[pl.ds(0, 128)]],
                         x0_v.at[pl.ds(0, 128)], sem).wait()
        pltpu.async_copy(xflat_hbm.at[idx0_v.at[pl.ds(128, 128)]],
                         x0_v.at[pl.ds(128, 128)], sem).wait()

        acc_v[...] = jnp.zeros((_L,), jnp.float32)

        @pl.loop(0, _NCH)
        def _(c):
            sl = pl.ds(c * _L, _L)
            t = tgt_v[sl]
            validf = jnp.where(t != _PAD_ID, 1.0, 0.0).astype(jnp.float32)
            term = _C0 + _EPS * x0_v[sl] - (_CONF - _EPS) * xt_v[sl]
            acc_v[...] += validf * term

        pltpu.sync_copy(acc_v, out_hbm.at[sid])


def _sc_partial(xflat, tgt):
    cp = pltpu.CompilerParams()
    if "needs_layout_passes" in pltpu.CompilerParams.__dataclass_fields__:
        cp = dataclasses.replace(cp, needs_layout_passes=False)
    kern = pl.kernel(
        _sc_body,
        out_type=jax.ShapeDtypeStruct((_NS, _L), jnp.float32),
        mesh=plsc.VectorSubcoreMesh(core_axis_name="c", subcore_axis_name="s"),
        compiler_params=cp,
        scratch_types=[
            pltpu.VMEM((_RPW,), jnp.int32),
            pltpu.VMEM((_RPW,), jnp.int32),
            pltpu.VMEM((_RPW,), jnp.int32),
            pltpu.VMEM((_RPW,), jnp.float32),
            pltpu.VMEM((_RPW,), jnp.float32),
            pltpu.VMEM((_L,), jnp.float32),
            pltpu.SemaphoreType.DMA,
        ],
    )
    return kern(xflat, tgt)


@jax.jit
def kernel(x, tgt):
    n, size = x.shape
    tgt32 = tgt.astype(jnp.int32)
    tgt3 = tgt32.reshape(n // _BR, 1, _BR)
    grid = (n // _BR, size // _BC)
    dense = pl.pallas_call(
        _tc_body,
        grid=grid,
        in_specs=[
            pl.BlockSpec((1, 1, _BR), lambda i, j: (i, 0, 0)),
            pl.BlockSpec((_BR, _BC), lambda i, j: (i, j)),
        ],
        out_specs=pl.BlockSpec((1, 1), lambda i, j: (0, 0)),
        out_shape=jax.ShapeDtypeStruct((1, 1), jnp.float32),
    )(tgt3, x)
    sparse = _sc_partial(x.reshape(-1), tgt32)
    return dense[0, 0] + jnp.sum(sparse)

# --- scband reference (transcript-rebuilt; emitter-appended) ---
"""Pipeline reference for scband-label-smoothing-32427003085596 (READ-ONLY COPY).

The authoritative reference and input builder live on the scoring server;
editing this copy changes nothing except your own understanding.
"""

import jax, jax.numpy as jnp
import numpy as np

SIZE = 32000
PAD_ID = 0
SMOOTHING = 0.1
CONFIDENCE = 1.0 - SMOOTHING


def setup_inputs(seed: int = 0) -> dict:
    key = jax.random.key(seed)
    k1, k2 = jax.random.split(key)
    x = jax.random.normal(k1, (4096, SIZE), dtype=jnp.float32)
    # make x look like log-probs (module expects log-probabilities for KLDivLoss)
    x = jax.nn.log_softmax(x, axis=-1)
    tgt = jax.random.randint(k2, (4096,), 0, SIZE, dtype=jnp.int64 if jax.config.jax_enable_x64 else jnp.int32)
    return {"x": x, "tgt": tgt}


def reference(x, tgt):
    n = x.shape[0]
    # t_dist filled with smoothing / (size - 2)
    t_dist = jnp.full(x.shape, SMOOTHING / (SIZE - 2), dtype=x.dtype)
    # scatter confidence at target index per row
    t_dist = t_dist.at[jnp.arange(n), tgt].set(CONFIDENCE)
    # zero out pad column
    t_dist = t_dist.at[:, PAD_ID].set(0.0)
    # zero out rows whose target is pad (index_fill_ over nonzero(tgt == pad))
    row_is_pad = (tgt == PAD_ID)
    t_dist = jnp.where(row_is_pad[:, None], 0.0, t_dist)
    # KLDivLoss(reduction='sum'): sum(target * (log(target) - input)), 0*log(0) := 0
    kl = jnp.where(t_dist > 0, t_dist * (jnp.log(jnp.where(t_dist > 0, t_dist, 1.0)) - x), 0.0)
    return jnp.sum(kl)

if __name__ == "__main__":
    import jax
    _d = setup_inputs()
    print(jax.jit(kernel)(*tuple(_d.values())))

</pallas_src>

<mosaic_0001>
#map = affine_map<(d0, d1) -> (0)>
#map1 = affine_map<(d0, d1) -> (0, 0)>
module attributes {stable_mosaic.version = 14 : i64} {
  func.func @_sc_body(%arg0: i32, %arg1: i32, %arg2: memref<131072000xf32, #tpu.memory_space<hbm>>, %arg3: memref<4096xi32, #tpu.memory_space<hbm>>, %arg4: memref<16x16xf32, #tpu.memory_space<hbm>>, %arg5: memref<256xi32, #tpu.memory_space<vmem>>, %arg6: memref<256xi32, #tpu.memory_space<vmem>>, %arg7: memref<256xi32, #tpu.memory_space<vmem>>, %arg8: memref<256xf32, #tpu.memory_space<vmem>>, %arg9: memref<256xf32, #tpu.memory_space<vmem>>, %arg10: memref<16xf32, #tpu.memory_space<vmem>>, %arg11: memref<!tpu.dma_semaphore, #tpu.memory_space<semaphore_mem>>) attributes {dimension_semantics = [#tpu.dimension_semantics<core_parallel>, #tpu.dimension_semantics<subcore_parallel>], iteration_bounds = array<i64: 2, 16>, scalar_prefetch = 0 : i64, scratch_operands = 7 : i64, tpu.core_type = #tpu.core_type<sc_vector_subcore>, window_params = [{transform_indices = #map}, {transform_indices = #map}, {transform_indices = #map1}]} {
    %eq3A = arith.constant 0 : i32
    %eq3A_0 = arith.cmpi eq, %arg0, %eq3A : i32
    %convert_element_type3A = arith.extui %eq3A_0 : i1 to i32
    %cond3A = arith.constant 0 : i32
    %cond3A_1 = arith.cmpi ne, %convert_element_type3A, %cond3A : i32
    scf.if %cond3A_1 {
      %mul3A = arith.constant 256 : i32
      %mul3A_2 = arith.muli %arg1, %mul3A : i32
      "tpu.region"() ({
        %run_scoped3A = tpu.sem_alloc : memref<!tpu.dma_semaphore, #tpu.memory_space<semaphore_mem>>
        %dma_start3A_60 = tpu.memref_slice %arg3[%mul3A_2] : memref<4096xi32, #tpu.memory_space<hbm>> -> memref<256xi32, #tpu.memory_space<hbm>>
        %dma_start3A_61 = tpu.memref_slice %arg3[%mul3A_2] : memref<4096xi32, #tpu.memory_space<hbm>> -> memref<256xi32, #tpu.memory_space<hbm>>
        tpu.enqueue_dma source(%dma_start3A_61 : memref<256xi32, #tpu.memory_space<hbm>>) target(%arg5 : memref<256xi32, #tpu.memory_space<vmem>>) target_semaphore(%run_scoped3A : memref<!tpu.dma_semaphore, #tpu.memory_space<semaphore_mem>>)
        %dma_wait3A_62 = tpu.memref_slice %arg3[%mul3A_2] : memref<4096xi32, #tpu.memory_space<hbm>> -> memref<256xi32, #tpu.memory_space<hbm>>
        %dma_wait3A_63 = tpu.memref_slice %arg3[%mul3A_2] : memref<4096xi32, #tpu.memory_space<hbm>> -> memref<256xi32, #tpu.memory_space<hbm>>
        tpu.wait_dma2 semaphore(%run_scoped3A : memref<!tpu.dma_semaphore, #tpu.memory_space<semaphore_mem>>) src(%dma_wait3A_63 : memref<256xi32, #tpu.memory_space<hbm>>) dst(%arg5 : memref<256xi32, #tpu.memory_space<vmem>>)
        tpu.yield
      }) : () -> ()
      %iota3A = tpu.iota {dimensions = array<i32: 0>} : vector<16xi32>
      %scan3A = arith.constant 0 : i32
      %scan3A_3 = arith.constant 16 : i32
      %scan3A_4 = arith.addi %scan3A, %scan3A_3 : i32
      %scan3A_5 = arith.constant 1 : i32
      scf.for %scan3A_60 = %scan3A to %scan3A_4 step %scan3A_5  : i32 {
        %mul3A_61 = arith.constant 1 : i32
        %mul3A_62 = arith.muli %scan3A_60, %mul3A_61 : i32
        %add3A = arith.constant 0 : i32
        %add3A_63 = arith.addi %add3A, %mul3A_62 : i32
        %mul3A_64 = arith.constant 16 : i32
        %mul3A_65 = arith.muli %add3A_63, %mul3A_64 : i32
        %get3A = arith.index_cast %mul3A_65 : i32 to index
        %get3A_66 = tpu.vector_load %arg5[%get3A] {strides = array<i32>} : memref<256xi32, #tpu.memory_space<vmem>>, vector<16xi32>,
        %mul3A_67 = arith.constant 16 : i32
        %mul3A_68 = arith.muli %add3A_63, %mul3A_67 : i32
        %add3A_69 = arith.addi %mul3A_2, %mul3A_68 : i32
        %add3A_70 = vector.broadcast %add3A_69 : i32 to vector<16xi32>
        %add3A_71 = arith.addi %add3A_70, %iota3A : vector<16xi32>
        %mul3A_72 = arith.constant 32000 : i32
        %mul3A_73 = vector.broadcast %mul3A_72 : i32 to vector<16xi32>
        %mul3A_74 = arith.muli %add3A_71, %mul3A_73 : vector<16xi32>
        %swap3A_75 = arith.index_cast %mul3A_65 : i32 to index
        %swap3A_76 = tpu.vector_load %arg7[%swap3A_75] {strides = array<i32>} : memref<256xi32, #tpu.memory_space<vmem>>, vector<16xi32>,
        tpu.vector_store %arg7[%swap3A_75], %mul3A_74 {strides = array<i32>} : memref<256xi32, #tpu.memory_space<vmem>>, vector<16xi32>,
        %mul3A_77 = arith.constant 32000 : i32
        %mul3A_78 = vector.broadcast %mul3A_77 : i32 to vector<16xi32>
        %mul3A_79 = arith.muli %add3A_71, %mul3A_78 : vector<16xi32>
        %add3A_80 = arith.addi %mul3A_79, %get3A_66 : vector<16xi32>
        %swap3A_81 = arith.index_cast %mul3A_65 : i32 to index
        %swap3A_82 = tpu.vector_load %arg6[%swap3A_81] {strides = array<i32>} : memref<256xi32, #tpu.memory_space<vmem>>, vector<16xi32>,
        tpu.vector_store %arg6[%swap3A_81], %add3A_80 {strides = array<i32>} : memref<256xi32, #tpu.memory_space<vmem>>, vector<16xi32>,
      }
      %scan3A_6 = arith.constant 16 : i32
      %dma_start3A = arith.constant 0 : i32
      %dma_start3A_7 = tpu.memref_slice %arg8[%dma_start3A] : memref<256xf32, #tpu.memory_space<vmem>> -> memref<128xf32, #tpu.memory_space<vmem>>
      %dma_start3A_8 = arith.constant 0 : i32
      %dma_start3A_9 = tpu.memref_slice %arg6[%dma_start3A_8] : memref<256xi32, #tpu.memory_space<vmem>> -> memref<128xi32, #tpu.memory_space<vmem>>
      %dma_start3A_10 = arith.constant 0 : i32
      %dma_start3A_11 = tpu.memref_slice %arg2[%dma_start3A_10] : memref<131072000xf32, #tpu.memory_space<hbm>> -> memref<131072000xf32, #tpu.memory_space<hbm>>
      tpu.enqueue_indirect_dma source(%dma_start3A_11 : memref<131072000xf32, #tpu.memory_space<hbm>>) target(%dma_start3A_7 : memref<128xf32, #tpu.memory_space<vmem>>) offsets(%dma_start3A_9 : memref<128xi32, #tpu.memory_space<vmem>>) semaphore(%arg11 : memref<!tpu.dma_semaphore, #tpu.memory_space<semaphore_mem>>)
      %dma_wait3A = arith.constant 0 : i32
      %dma_wait3A_12 = tpu.memref_slice %arg8[%dma_wait3A] : memref<256xf32, #tpu.memory_space<vmem>> -> memref<128xf32, #tpu.memory_space<vmem>>
      %dma_wait3A_13 = arith.constant 0 : i32
      %dma_wait3A_14 = tpu.memref_slice %arg6[%dma_wait3A_13] : memref<256xi32, #tpu.memory_space<vmem>> -> memref<128xi32, #tpu.memory_space<vmem>>
      %dma_wait3A_15 = arith.constant 0 : i32
      %dma_wait3A_16 = tpu.memref_slice %arg2[%dma_wait3A_15] : memref<131072000xf32, #tpu.memory_space<hbm>> -> memref<131072000xf32, #tpu.memory_space<hbm>>
      tpu.wait_indirect_dma semaphore(%arg11 : memref<!tpu.dma_semaphore, #tpu.memory_space<semaphore_mem>>) src(%dma_wait3A_16 : memref<131072000xf32, #tpu.memory_space<hbm>>) dst(%dma_wait3A_12 : memref<128xf32, #tpu.memory_space<vmem>>)
      %dma_start3A_17 = arith.constant 128 : i32
      %dma_start3A_18 = tpu.memref_slice %arg8[%dma_start3A_17] : memref<256xf32, #tpu.memory_space<vmem>> -> memref<128xf32, #tpu.memory_space<vmem>>
      %dma_start3A_19 = arith.constant 128 : i32
      %dma_start3A_20 = tpu.memref_slice %arg6[%dma_start3A_19] : memref<256xi32, #tpu.memory_space<vmem>> -> memref<128xi32, #tpu.memory_space<vmem>>
      %dma_start3A_21 = arith.constant 0 : i32
      %dma_start3A_22 = tpu.memref_slice %arg2[%dma_start3A_21] : memref<131072000xf32, #tpu.memory_space<hbm>> -> memref<131072000xf32, #tpu.memory_space<hbm>>
      tpu.enqueue_indirect_dma source(%dma_start3A_22 : memref<131072000xf32, #tpu.memory_space<hbm>>) target(%dma_start3A_18 : memref<128xf32, #tpu.memory_space<vmem>>) offsets(%dma_start3A_20 : memref<128xi32, #tpu.memory_space<vmem>>) semaphore(%arg11 : memref<!tpu.dma_semaphore, #tpu.memory_space<semaphore_mem>>)
      %dma_wait3A_23 = arith.constant 128 : i32
      %dma_wait3A_24 = tpu.memref_slice %arg8[%dma_wait3A_23] : memref<256xf32, #tpu.memory_space<vmem>> -> memref<128xf32, #tpu.memory_space<vmem>>
      %dma_wait3A_25 = arith.constant 128 : i32
      %dma_wait3A_26 = tpu.memref_slice %arg6[%dma_wait3A_25] : memref<256xi32, #tpu.memory_space<vmem>> -> memref<128xi32, #tpu.memory_space<vmem>>
      %dma_wait3A_27 = arith.constant 0 : i32
      %dma_wait3A_28 = tpu.memref_slice %arg2[%dma_wait3A_27] : memref<131072000xf32, #tpu.memory_space<hbm>> -> memref<131072000xf32, #tpu.memory_space<hbm>>
      tpu.wait_indirect_dma semaphore(%arg11 : memref<!tpu.dma_semaphore, #tpu.memory_space<semaphore_mem>>) src(%dma_wait3A_28 : memref<131072000xf32, #tpu.memory_space<hbm>>) dst(%dma_wait3A_24 : memref<128xf32, #tpu.memory_space<vmem>>)
      %dma_start3A_29 = arith.constant 0 : i32
      %dma_start3A_30 = tpu.memref_slice %arg9[%dma_start3A_29] : memref<256xf32, #tpu.memory_space<vmem>> -> memref<128xf32, #tpu.memory_space<vmem>>
      %dma_start3A_31 = arith.constant 0 : i32
      %dma_start3A_32 = tpu.memref_slice %arg7[%dma_start3A_31] : memref<256xi32, #tpu.memory_space<vmem>> -> memref<128xi32, #tpu.memory_space<vmem>>
      %dma_start3A_33 = arith.constant 0 : i32
      %dma_start3A_34 = tpu.memref_slice %arg2[%dma_start3A_33] : memref<131072000xf32, #tpu.memory_space<hbm>> -> memref<131072000xf32, #tpu.memory_space<hbm>>
      tpu.enqueue_indirect_dma source(%dma_start3A_34 : memref<131072000xf32, #tpu.memory_space<hbm>>) target(%dma_start3A_30 : memref<128xf32, #tpu.memory_space<vmem>>) offsets(%dma_start3A_32 : memref<128xi32, #tpu.memory_space<vmem>>) semaphore(%arg11 : memref<!tpu.dma_semaphore, #tpu.memory_space<semaphore_mem>>)
      %dma_wait3A_35 = arith.constant 0 : i32
      %dma_wait3A_36 = tpu.memref_slice %arg9[%dma_wait3A_35] : memref<256xf32, #tpu.memory_space<vmem>> -> memref<128xf32, #tpu.memory_space<vmem>>
      %dma_wait3A_37 = arith.constant 0 : i32
      %dma_wait3A_38 = tpu.memref_slice %arg7[%dma_wait3A_37] : memref<256xi32, #tpu.memory_space<vmem>> -> memref<128xi32, #tpu.memory_space<vmem>>
      %dma_wait3A_39 = arith.constant 0 : i32
      %dma_wait3A_40 = tpu.memref_slice %arg2[%dma_wait3A_39] : memref<131072000xf32, #tpu.memory_space<hbm>> -> memref<131072000xf32, #tpu.memory_space<hbm>>
      tpu.wait_indirect_dma semaphore(%arg11 : memref<!tpu.dma_semaphore, #tpu.memory_space<semaphore_mem>>) src(%dma_wait3A_40 : memref<131072000xf32, #tpu.memory_space<hbm>>) dst(%dma_wait3A_36 : memref<128xf32, #tpu.memory_space<vmem>>)
      %dma_start3A_41 = arith.constant 128 : i32
      %dma_start3A_42 = tpu.memref_slice %arg9[%dma_start3A_41] : memref<256xf32, #tpu.memory_space<vmem>> -> memref<128xf32, #tpu.memory_space<vmem>>
      %dma_start3A_43 = arith.constant 128 : i32
      %dma_start3A_44 = tpu.memref_slice %arg7[%dma_start3A_43] : memref<256xi32, #tpu.memory_space<vmem>> -> memref<128xi32, #tpu.memory_space<vmem>>
      %dma_start3A_45 = arith.constant 0 : i32
      %dma_start3A_46 = tpu.memref_slice %arg2[%dma_start3A_45] : memref<131072000xf32, #tpu.memory_space<hbm>> -> memref<131072000xf32, #tpu.memory_space<hbm>>
      tpu.enqueue_indirect_dma source(%dma_start3A_46 : memref<131072000xf32, #tpu.memory_space<hbm>>) target(%dma_start3A_42 : memref<128xf32, #tpu.memory_space<vmem>>) offsets(%dma_start3A_44 : memref<128xi32, #tpu.memory_space<vmem>>) semaphore(%arg11 : memref<!tpu.dma_semaphore, #tpu.memory_space<semaphore_mem>>)
      %dma_wait3A_47 = arith.constant 128 : i32
      %dma_wait3A_48 = tpu.memref_slice %arg9[%dma_wait3A_47] : memref<256xf32, #tpu.memory_space<vmem>> -> memref<128xf32, #tpu.memory_space<vmem>>
      %dma_wait3A_49 = arith.constant 128 : i32
      %dma_wait3A_50 = tpu.memref_slice %arg7[%dma_wait3A_49] : memref<256xi32, #tpu.memory_space<vmem>> -> memref<128xi32, #tpu.memory_space<vmem>>
      %dma_wait3A_51 = arith.constant 0 : i32
      %dma_wait3A_52 = tpu.memref_slice %arg2[%dma_wait3A_51] : memref<131072000xf32, #tpu.memory_space<hbm>> -> memref<131072000xf32, #tpu.memory_space<hbm>>
      tpu.wait_indirect_dma semaphore(%arg11 : memref<!tpu.dma_semaphore, #tpu.memory_space<semaphore_mem>>) src(%dma_wait3A_52 : memref<131072000xf32, #tpu.memory_space<hbm>>) dst(%dma_wait3A_48 : memref<128xf32, #tpu.memory_space<vmem>>)
      %broadcast_in_dim3A = arith.constant 0.000000e+00 : f32
      %broadcast_in_dim3A_53 = vector.broadcast %broadcast_in_dim3A : f32 to vector<16xf32>
      %swap3A = arith.constant 0 : index
      %swap3A_54 = tpu.vector_load %arg10[%swap3A] {strides = array<i32>} : memref<16xf32, #tpu.memory_space<vmem>>, vector<16xf32>,
      tpu.vector_store %arg10[%swap3A], %broadcast_in_dim3A_53 {strides = array<i32>} : memref<16xf32, #tpu.memory_space<vmem>>, vector<16xf32>,
      %scan3A_55 = arith.constant 0 : i32
      %scan3A_56 = arith.constant 16 : i32
      %scan3A_57 = arith.addi %scan3A_55, %scan3A_56 : i32
      %scan3A_58 = arith.constant 1 : i32
      scf.for %scan3A_60 = %scan3A_55 to %scan3A_57 step %scan3A_58  : i32 {
        %mul3A_61 = arith.constant 1 : i32
        %mul3A_62 = arith.muli %scan3A_60, %mul3A_61 : i32
        %add3A = arith.constant 0 : i32
        %add3A_63 = arith.addi %add3A, %mul3A_62 : i32
        %mul3A_64 = arith.constant 16 : i32
        %mul3A_65 = arith.muli %add3A_63, %mul3A_64 : i32
        %get3A = arith.index_cast %mul3A_65 : i32 to index
        %get3A_66 = tpu.vector_load %arg5[%get3A] {strides = array<i32>} : memref<256xi32, #tpu.memory_space<vmem>>, vector<16xi32>,
        %ne3A = arith.constant 0 : i32
        %ne3A_67 = vector.broadcast %ne3A : i32 to vector<16xi32>
        %ne3A_68 = arith.cmpi ne, %get3A_66, %ne3A_67 : vector<16xi32>
        %jit3A = arith.constant 1.000000e+00 : f32
        %jit3A_69 = arith.constant 0.000000e+00 : f32
        %broadcast_in_dim3A_70 = vector.broadcast %jit3A : f32 to vector<16xf32>
        %broadcast_in_dim3A_71 = vector.broadcast %jit3A_69 : f32 to vector<16xf32>
        %select_n3A = arith.select %ne3A_68, %broadcast_in_dim3A_70, %broadcast_in_dim3A_71 : vector<16xi1>, vector<16xf32>
        %get3A_72 = arith.index_cast %mul3A_65 : i32 to index
        %get3A_73 = tpu.vector_load %arg9[%get3A_72] {strides = array<i32>} : memref<256xf32, #tpu.memory_space<vmem>>, vector<16xf32>,
        %mul3A_74 = arith.constant 3.12519524E-6 : f32
        %mul3A_75 = vector.broadcast %mul3A_74 : f32 to vector<16xf32>
        %mul3A_76 = arith.mulf %mul3A_75, %get3A_73 : vector<16xf32>
        %add3A_77 = arith.constant -1.3624258 : f32
        %add3A_78 = vector.broadcast %add3A_77 : f32 to vector<16xf32>
        %add3A_79 = arith.addf %add3A_78, %mul3A_76 : vector<16xf32>
        %get3A_80 = arith.index_cast %mul3A_65 : i32 to index
        %get3A_81 = tpu.vector_load %arg8[%get3A_80] {strides = array<i32>} : memref<256xf32, #tpu.memory_space<vmem>>, vector<16xf32>,
        %mul3A_82 = arith.constant 0.899996876 : f32
        %mul3A_83 = vector.broadcast %mul3A_82 : f32 to vector<16xf32>
        %mul3A_84 = arith.mulf %mul3A_83, %get3A_81 : vector<16xf32>
        %sub3A = arith.subf %add3A_79, %mul3A_84 : vector<16xf32>
        %get3A_85 = arith.constant 0 : index
        %get3A_86 = tpu.vector_load %arg10[%get3A_85] {strides = array<i32>} : memref<16xf32, #tpu.memory_space<vmem>>, vector<16xf32>,
        %mul3A_87 = arith.mulf %select_n3A, %sub3A : vector<16xf32>
        %add3A_88 = arith.addf %get3A_86, %mul3A_87 : vector<16xf32>
        %swap3A_89 = arith.constant 0 : index
        %swap3A_90 = tpu.vector_load %arg10[%swap3A_89] {strides = array<i32>} : memref<16xf32, #tpu.memory_space<vmem>>, vector<16xf32>,
        tpu.vector_store %arg10[%swap3A_89], %add3A_88 {strides = array<i32>} : memref<16xf32, #tpu.memory_space<vmem>>, vector<16xf32>,
      }
      %scan3A_59 = arith.constant 16 : i32
      "tpu.region"() ({
        %run_scoped3A = tpu.sem_alloc : memref<!tpu.dma_semaphore, #tpu.memory_space<semaphore_mem>>
        %dma_start3A_60 = arith.constant 0 : i32
        %dma_start3A_61 = tpu.memref_slice %arg4[%arg1, %dma_start3A_60] : memref<16x16xf32, #tpu.memory_space<hbm>> -> memref<1x16xf32, #tpu.memory_space<hbm>>
        %dma_start3A_62 = tpu.memref_squeeze %dma_start3A_61 : memref<1x16xf32, #tpu.memory_space<hbm>> -> memref<16xf32, #tpu.memory_space<hbm>>
        %dma_start3A_63 = arith.constant 0 : i32
        %dma_start3A_64 = tpu.memref_slice %arg4[%arg1, %dma_start3A_63] : memref<16x16xf32, #tpu.memory_space<hbm>> -> memref<1x16xf32, #tpu.memory_space<hbm>>
        %dma_start3A_65 = tpu.memref_squeeze %dma_start3A_64 : memref<1x16xf32, #tpu.memory_space<hbm>> -> memref<16xf32, #tpu.memory_space<hbm>>
        tpu.enqueue_dma source(%arg10 : memref<16xf32, #tpu.memory_space<vmem>>) target(%dma_start3A_65 : memref<16xf32, #tpu.memory_space<hbm>>) target_semaphore(%run_scoped3A : memref<!tpu.dma_semaphore, #tpu.memory_space<semaphore_mem>>)
        %dma_wait3A_66 = arith.constant 0 : i32
        %dma_wait3A_67 = tpu.memref_slice %arg4[%arg1, %dma_wait3A_66] : memref<16x16xf32, #tpu.memory_space<hbm>> -> memref<1x16xf32, #tpu.memory_space<hbm>>
        %dma_wait3A_68 = tpu.memref_squeeze %dma_wait3A_67 : memref<1x16xf32, #tpu.memory_space<hbm>> -> memref<16xf32, #tpu.memory_space<hbm>>
        %dma_wait3A_69 = arith.constant 0 : i32
        %dma_wait3A_70 = tpu.memref_slice %arg4[%arg1, %dma_wait3A_69] : memref<16x16xf32, #tpu.memory_space<hbm>> -> memref<1x16xf32, #tpu.memory_space<hbm>>
        %dma_wait3A_71 = tpu.memref_squeeze %dma_wait3A_70 : memref<1x16xf32, #tpu.memory_space<hbm>> -> memref<16xf32, #tpu.memory_space<hbm>>
        tpu.wait_dma2 semaphore(%run_scoped3A : memref<!tpu.dma_semaphore, #tpu.memory_space<semaphore_mem>>) src(%arg10 : memref<16xf32, #tpu.memory_space<vmem>>) dst(%dma_wait3A_71 : memref<16xf32, #tpu.memory_space<hbm>>)
        tpu.yield
      }) : () -> ()
    } else {
    }
    return
  }
}

module attributes {stable_mosaic.version = 14 : i64} {
  func.func @_tc_body(%arg0: i32, %arg1: i32, %arg2: memref<1x1x512xi32, #tpu.memory_space<vmem>>, %arg3: memref<512x6400xf32, #tpu.memory_space<vmem>>, %arg4: memref<1x1xf32, #tpu.memory_space<vmem>>) attributes {dimension_semantics = [#tpu.dimension_semantics<arbitrary>, #tpu.dimension_semantics<arbitrary>], iteration_bounds = array<i64: 8, 5>, scalar_prefetch = 0 : i64, scratch_operands = 0 : i64, tpu.core_type = #tpu.core_type<tc>, window_params = [{transform_indices = @transform_0, window_bounds = array<i64: 1, 1, 512>}, {transform_indices = @transform_1, window_bounds = array<i64: 512, 6400>}, {pipeline_mode = #tpu.pipeline_mode<synchronous>, transform_indices = @transform_2, window_bounds = array<i64: 1, 1>}]} {
    %eq3A = arith.constant 0 : i32
    %eq3A_0 = arith.cmpi eq, %arg0, %eq3A : i32
    %eq3A_1 = arith.constant 0 : i32
    %eq3A_2 = arith.cmpi eq, %arg1, %eq3A_1 : i32
    %and3A = arith.andi %eq3A_0, %eq3A_2 : i1
    %convert_element_type3A = arith.extui %and3A : i1 to i32
    %cond3A = arith.constant 0 : i32
    %cond3A_3 = arith.cmpi ne, %convert_element_type3A, %cond3A : i32
    scf.if %cond3A_3 {
      %broadcast_in_dim3A_25 = arith.constant 0.000000e+00 : f32
      %broadcast_in_dim3A_26 = vector.broadcast %broadcast_in_dim3A_25 : f32 to vector<1x1xf32>
      %swap3A_27 = arith.constant 0 : index
      %swap3A_28 = arith.constant 0 : index
      %swap3A_29 = vector.load %arg4[%swap3A_27, %swap3A_28] : memref<1x1xf32, #tpu.memory_space<vmem>>, vector<1x1xf32>
      tpu.vector_store %arg4[%swap3A_27, %swap3A_28], %broadcast_in_dim3A_26 {strides = array<i32>} : memref<1x1xf32, #tpu.memory_space<vmem>>, vector<1x1xf32>,
    } else {
    }
    %get3A = arith.constant 0 : index
    %get3A_4 = arith.constant 0 : index
    %get3A_5 = vector.load %arg3[%get3A, %get3A_4] : memref<512x6400xf32, #tpu.memory_space<vmem>>, vector<512x6400xf32>
    %get3A_6 = arith.constant 0 : index
    %get3A_7 = arith.constant 0 : index
    %get3A_8 = arith.constant 0 : index
    %get3A_9 = vector.load %arg2[%get3A_6, %get3A_7, %get3A_8] : memref<1x1x512xi32, #tpu.memory_space<vmem>>, vector<1x1x512xi32>
    %get3A_10 = vector.shape_cast %get3A_9 : vector<1x1x512xi32> to vector<512xi32>
    %ne3A = arith.constant 0 : i32
    %ne3A_11 = vector.broadcast %ne3A : i32 to vector<512xi32>
    %ne3A_12 = arith.cmpi ne, %get3A_10, %ne3A_11 : vector<512xi32>
    %reduce_sum3A = arith.constant dense<0.000000e+00> : vector<512xf32>
    %reduce_sum3A_13 = vector.multi_reduction <add>, %get3A_5, %reduce_sum3A [1] : vector<512x6400xf32> to vector<512xf32>
    %jit3A = arith.constant 0.000000e+00 : f32
    %broadcast_in_dim3A = vector.broadcast %jit3A : f32 to vector<512xf32>
    %select_n3A = arith.select %ne3A_12, %reduce_sum3A_13, %broadcast_in_dim3A : vector<512xi1>, vector<512xf32>
    %reduce_sum3A_14 = vector.shape_cast %select_n3A : vector<512xf32> to vector<1x512xf32>
    %reduce_sum3A_15 = arith.constant dense<0.000000e+00> : vector<1xf32>
    %reduce_sum3A_16 = vector.multi_reduction <add>, %reduce_sum3A_14, %reduce_sum3A_15 [1] : vector<1x512xf32> to vector<1xf32>
    %reduce_sum3A_17 = vector.shape_cast %reduce_sum3A_16 : vector<1xf32> to vector<1x1xf32>
    %reduce_sum3A_18 = vector.extract %reduce_sum3A_17[0, 0] : f32 from vector<1x1xf32>
    %mul3A = arith.constant -3.12519524E-6 : f32
    %mul3A_19 = arith.mulf %mul3A, %reduce_sum3A_18 : f32
    %get3A_20 = arith.constant 0 : index
    %get3A_21 = arith.constant 0 : index
    %get3A_22 = vector.load %arg4[%get3A_20, %get3A_21] : memref<1x1xf32, #tpu.memory_space<vmem>>, vector<1x1xf32>
    %reshape3A = vector.broadcast %mul3A_19 : f32 to vector<1x1xf32>
    %add3A = arith.addf %get3A_22, %reshape3A : vector<1x1xf32>
    %swap3A = arith.constant 0 : index
    %swap3A_23 = arith.constant 0 : index
    %swap3A_24 = vector.load %arg4[%swap3A, %swap3A_23] : memref<1x1xf32, #tpu.memory_space<vmem>>, vector<1x1xf32>
    tpu.vector_store %arg4[%swap3A, %swap3A_23], %add3A {strides = array<i32>} : memref<1x1xf32, #tpu.memory_space<vmem>>, vector<1x1xf32>,
    return
  }
  func.func @transform_0(%arg0: i32, %arg1: i32) -> (i32, i32, i32) {
    %c0_i32 = arith.constant 0 : i32
    %c0_i32_0 = arith.constant 0 : i32
    %c0_i32_1 = arith.constant 0 : i32
    return %arg0, %c0_i32, %c0_i32_0 : i32, i32, i32
  }
  func.func @transform_1(%arg0: i32, %arg1: i32) -> (i32, i32) {
    %c0_i32 = arith.constant 0 : i32
    return %arg0, %arg1 : i32, i32
  }
  func.func @transform_2(%arg0: i32, %arg1: i32) -> (i32, i32) {
    %c0_i32 = arith.constant 0 : i32
    %c0_i32_0 = arith.constant 0 : i32
    %c0_i32_1 = arith.constant 0 : i32
    return %c0_i32, %c0_i32_0 : i32, i32
  }
}

</mosaic_0001>

<sc_bundles>
// kernel: kernel.4.cloned.1.call-start
scs
__scs_entry_jumppad:
0x0: {  	(pc) =	sbr.rel $0x88, $3  }
0x1: {  	(tag) =	ssettag $0x0;
	lr =	simm.s32 $0x1  }
0x2: {  	[smem:$0x3F9F] =	sst lr;
	_ =	strace $0xD0000000  }
0x3: {  	_ = 	snop  }
0x4: {  	_ = 	snop  }
0x5: {  	_ = 	snop  }
0x6: {  	_ = 	snop  }
0x7: {  	_ = 	snop  }
__scs_overlays_trampoline_lowered:
0x8: {  	[smem:$0x3FAE] =	sst s0  }
0x9: {  	[smem:$0x3FAF] =	sst s1  }
0xa: {  	[smem:$0x3FB0] =	sst s2  }
0xb: {  	[smem:$0x3FB1] =	sst s3  }
0xc: {  	[smem:$0x3FB2] =	sst s4  }
0xd: {  	[smem:$0x3FB3] =	sst s5  }
0xe: {  	[smem:$0x3FB4] =	sst s6  }
0xf: {  	[smem:$0x3FB5] =	sst s7  }
0x10: {  	[smem:$0x3FB6] =	sst s8  }
0x11: {  	[smem:$0x3FB7] =	sst s9;
	s0 =	simm.s32 @!p0 $0x0  }
0x12: {  	s1 =	sld [smem:$0x3F9D];
	s0 =	simm.s32 @p0 $0x1  }
0x13: {  	[smem:$0x3FB8] =	sst s0;
	s0 =	simm.s32 @!p1 $0x0  }
0x14: {  	s2 =	sld [smem:$0x3F9C];
	s0 =	simm.s32 @p1 $0x1  }
0x15: {  	[smem:$0x3FB9] =	sst s0;
	s0 =	simm.s32 @!p2 $0x0  }
0x16: {  	s3 =	sld [smem:$0x3FDB];
	s0 =	simm.s32 @p2 $0x1  }
0x17: {  	s4 =	simm.s32 $0x1BF5;
	[smem:$0x3FBB] =	sst s0  }
0x18: {  	s0 =	sld [smem:$0x3F9E];
	_ =	swait.ge [sflag:s4], $0x0  }
0x19: {  	s7 =	sld [smem:$0x3F9F]  }
0x1a: {  	s8 =	sadd.s32 $0xFFFFE003, lr  }
0x1b: {  	s9 =	sadd.s32 $0xFFFFFEF7, lr;
	s5 =	simm.s32 $0xFFFFFFFF;
	p2 =	slt.u32 s8, $0xFFFFF086  }
0x1c: {  	p1 =	slt.u32 s9, $0xF7A;
	s5 =	simm.s32 @!p2 $0x0  }
0x1d: {  	s5 =	simm.s32 @p1 $0x1;
	p0 =	seq.s32 s7, s2  }
0x1e: {  	s7 =	smul.u32 @!p0 $0xF7A, s2;
	p2 =	seq.s32 @!p0 s5, $0x0  }
0x1f: {  	s9 =	smul.u32 $0xF7A, s1;
	s8 =	simm.s32 @!p0 $0x1BF5;
	p2 =	por !p2, p0  }
0x20: {  	[sflag:s8] =	ssyncset.s32 @!p0 $0xFFFFF086;
	s6 =	sadd.s32 @!p0 s3, s7;
	s7 =	simm.s32 @!p0 $0x108  }
0x21: {  	s3 =	sadd.s32 s3, s9;
	s6 =	sadd.s32 @!p0 $0x88, s6;
	s7 =	simm.s32 @p2 $0x1082  }
0x22: {  	[simem:s7], [sflag:s8] =	dma.local @!p0 [hbm:s6], $0xF7A  }
0x23: {  	s9 =	sor.u32 $0xD0000000, s2;
	s6 =	simm.s32 $0x108;
	_ =	swait.ge @!p0 [sflag:s8], $0x0  }
0x24: {  	s3 =	sadd.s32 $0x88, s3;
	s6 =	simm.s32 @!p1 $0x1082;
	[sflag:s4] =	ssyncset.s32 $0xFFFFF086  }
0x25: {  	[simem:s6], [sflag:s4] =	dma.local [hbm:s3], $0xF7A  }
0x26: {  	[smem:$0x3F9F] =	sst s1;
	(tag) =	ssettag s2;
	_ =	strace s9  }
0x27: {  	s1 =	sld [smem:$0x3FAF]  }
0x28: {  	s2 =	sld [smem:$0x3FB0]  }
0x29: {  	s4 =	sld [smem:$0x3FB2]  }
0x2a: {  	p0 =	seq.s32 s5, $0x0;
	s5 =	sld [smem:$0x3FB3]  }
0x2b: {  	s6 =	sld [smem:$0x3FB4]  }
0x2c: {  	s7 =	sld [smem:$0x3FB5]  }
0x2d: {  	s3 =	simm.s32 $0x108;
	s8 =	sld [smem:$0x3FB6]  }
0x2e: {  	s3 =	simm.s32 @!p0 $0x1082;
	s9 =	sld [smem:$0x3FB7]  }
0x2f: {  	lr =	sadd.s32 s0, s3;
	s0 =	sld [smem:$0x3FAE]  }
0x30: {  	s3 =	sld [smem:$0x3FB1]  }
0x31: {  	[smem:$0x3FBA] =	sst s10  }
0x32: {  	s10 =	sld [smem:$0x3FB8];
	_ =	sdelay $0x3  }
0x33: {  	p0 =	seq.s32 s10, $0x1;
	s10 =	sld [smem:$0x3FBA];
	_ =	sdelay $0x3  }
0x34: {  	[smem:$0x3FBA] =	sst s10  }
0x35: {  	s10 =	sld [smem:$0x3FB9];
	_ =	sdelay $0x3  }
0x36: {  	p1 =	seq.s32 s10, $0x1;
	s10 =	sld [smem:$0x3FBA];
	_ =	sdelay $0x3  }
0x37: {  	[smem:$0x3FBA] =	sst s10  }
0x38: {  	s10 =	sld [smem:$0x3FBB]  }
0x39: {  	_ = 	snop;
	(pc) =	sbr.ind lr, $3  }
0x3a: {  	_ = 	snop  }
0x3b: {  	_ = 	snop  }
0x3c: {  	p2 =	seq.s32 s10, $0x1;
	s10 =	sld [smem:$0x3FBA]  }
0x3d: {  	_ =	shalt  }
0x3e: {  	_ =	shalt  }
0x3f: {  	_ =	shalt  }
0x40: {  	_ =	shalt  }
0x41: {  	_ =	shalt  }
0x42: {  	_ =	shalt  }
0x43: {  	_ =	shalt  }
0x44: {  	_ =	shalt  }
0x45: {  	_ =	shalt  }
0x46: {  	_ =	shalt  }
0x47: {  	_ =	shalt  }
0x48: {  	_ =	shalt  }
0x49: {  	_ =	shalt  }
0x4a: {  	_ =	shalt  }
0x4b: {  	_ =	shalt  }
0x4c: {  	_ =	shalt  }
0x4d: {  	_ =	shalt  }
0x4e: {  	_ =	shalt  }
0x4f: {  	_ =	shalt  }
0x50: {  	_ =	shalt  }
0x51: {  	_ =	shalt  }
0x52: {  	_ =	shalt  }
0x53: {  	_ =	shalt  }
0x54: {  	_ =	shalt  }
0x55: {  	_ =	shalt  }
0x56: {  	_ =	shalt  }
0x57: {  	_ =	shalt  }
0x58: {  	_ =	shalt  }
0x59: {  	_ =	shalt  }
0x5a: {  	_ =	shalt  }
0x5b: {  	_ =	shalt  }
0x5c: {  	_ =	shalt  }
0x5d: {  	_ =	shalt  }
0x5e: {  	_ =	shalt  }
0x5f: {  	_ =	shalt  }
0x60: {  	_ =	shalt  }
0x61: {  	_ =	shalt  }
0x62: {  	_ =	shalt  }
0x63: {  	_ =	shalt  }
0x64: {  	_ =	shalt  }
0x65: {  	_ =	shalt  }
0x66: {  	_ =	shalt  }
0x67: {  	_ =	shalt  }
0x68: {  	_ =	shalt  }
0x69: {  	_ =	shalt  }
0x6a: {  	_ =	shalt  }
0x6b: {  	_ =	shalt  }
0x6c: {  	_ =	shalt  }
0x6d: {  	_ =	shalt  }
0x6e: {  	_ =	shalt  }
0x6f: {  	_ =	shalt  }
0x70: {  	_ =	shalt  }
0x71: {  	_ =	shalt  }
0x72: {  	_ =	shalt  }
0x73: {  	_ =	shalt  }
0x74: {  	_ =	shalt  }
0x75: {  	_ =	shalt  }
0x76: {  	_ =	shalt  }
0x77: {  	_ =	shalt  }
0x78: {  	_ =	shalt  }
0x79: {  	_ =	shalt  }
0x7a: {  	_ =	shalt  }
0x7b: {  	_ =	shalt  }
0x7c: {  	_ =	shalt  }
0x7d: {  	_ =	shalt  }
0x7e: {  	_ =	shalt  }
0x7f: {  	_ =	shalt  }
0x80: {  	_ =	shalt  }
0x81: {  	_ =	shalt  }
0x82: {  	_ =	shalt  }
0x83: {  	_ =	shalt  }
0x84: {  	_ =	shalt  }
0x85: {  	_ =	shalt  }
0x86: {  	_ =	shalt  }
0x87: {  	_ =	shalt  }
.Lfunc_end0:
.L_simem_size_0:
called_computation_lowered:
.L_overlay_start_0:
0x88: {  	s2 =	sld [smem:$0x3FD9]  }
0x89: {  	s3 =	sld [smem:$0x3FFE];
	_ =	sdelay $0x1  }
0x8a: {  	s1 =	srdreg.scid  }
0x8b: {  	s0 =	sand.u32 $0x1, s1  }
0x8c: {  	s17 =	sshll.u32 s0, $0xA;
	s2 =	sadd.s32 s3, s2  }
0x8d: {  	s2 =	sadd.s32 s2, s17  }
0x8e: {  	[smem:$0x3FC6] =	sst s2  }
0x8f: {  	_ = 	snop  }
0x90: {  	s2 =	sld [smem:$0x3FC8];
	(tm) =	ssettm $0x1  }
0x91: {  	s18 =	sld [smem:$0x3FFB];
	_ =	sdelay $0x3  }
0x92: {  	_ =	strace s18  }
0x93: {  	s3 =	sld [smem:$0x3FFC];
	_ =	sdelay $0x3  }
0x94: {  	_ =	strace s3  }
0x95: {  	s3 =	sld [smem:$0x3FFD];
	_ =	sdelay $0x3  }
0x96: {  	_ =	strace s3  }
0x97: {  	_ =	strace $0x8FFFFFFF  }
0x98: {  	s19 =	sld [smem:$0x3FDB];
	_ =	sdelay $0x1  }
0x99: {  	s4 =	simm.s32 $_scs_section_size  }
0x9a: {  	s5 =	simm.s32 $_size__tile_overlayer_lowered;
	s6 =	simm.s32 $_tile_overlayer_lowered  }
0x9b: {  	s22 =	simm.s32 $0x1BFF;
	s21 =	sshll.u32 s6, $0x1;
	s3 =	sadd.s32 s4, s19  }
0x9c: {  	s7 =	simm.s32 $0x0;
	s20 =	sshll.u32 s5, $0x1;
	s5 =	sadd.s32 s21, s3  }
0x9d: {  	[timem:s7], [sflag:s22] =	dma.local [hbm:s5], s20  }
0x9e: {  	_ =	swait.ge [sflag:s22], s20  }
0x9f: {  	s4 =	ssub.s32 $0x0, s20;
	[sflag:s22] =	ssyncset.done $0x0  }
0xa0: {  	[sflag:s22] =	ssyncadd.s32 s4;
	_ =	sdelay $0x1  }
0xa1: {  	s23 =	simm.s32 $0x1B8B  }
0xa2: {  	_ =	swait.ge [sflag:s23], $0x1  }
0xa3: {  	[sflag:s23] =	ssyncset.done $0x0  }
0xa4: {  	s25 =	simm.s32 $0x1B8E;
	s24 =	sld [smem:$0x3FFE];
	[sflag:s23] =	ssyncadd.s32 $0xFFFFFFFF  }
0xa5: {  	s26 =	simm.s32 $execute0_lowered;
	[smem:$0x3FD2] =	sst s25  }
0xa6: {  	s5 =	sshll.u32 s26, $0x1;
	_ =	strace $0x80000046;
	[dreg:$0x1] =	wrdreg $0xFFFFFFFF  }
0xa7: {  	s28 =	simm.s32 $_size_execute0_lowered;
	s3 =	sadd.s32 s3, s5;
	[dreg:$0x0] =	wrdreg $0x0  }
0xa8: {  	s5 =	sshll.u32 s28, $0x1;
	[dreg:$0x2] =	wrdreg s3  }
0xa9: {  	[dreg:$0x3] =	wrdreg s5  }
0xaa: {  	[dreg:$0x4] =	wrdreg $0xC0  }
0xab: {  	_ =	task [dreg:s7], $0x5FFFF  }
0xac: {  	[dreg:$0x1] =	wrdreg $0xFFFFFFFF  }
0xad: {  	[dreg:$0x0] =	wrdreg $0x60  }
0xae: {  	[dreg:$0x2] =	wrdreg s24  }
0xaf: {  	[dreg:$0x3] =	wrdreg s2  }
0xb0: {  	[dreg:$0x4] =	wrdreg $0x9  }
0xb1: {  	_ =	task.clear_ibuf [dreg:s7], $0x5FFFF;
	_ =	strace $0x90000046  }
0xb2: {  	s29 =	simm.s32 $0x9;
	_ =	strace $0x80000048  }
0xb3: {  	_ =	swait.ge [sflag:s29], $0x1  }
0xb4: {  	[sflag:s29] =	ssyncadd.s32 $0xFFFFFFFF  }
0xb5: {  	_ =	strace $0x90000048  }
0xb6: {  	_ =	sfence  }
0xb7: {  	s30 =	sld [smem:$0x0];
	_ =	sdelay $0x2  }
0xb8: {  	s31 =	sshll.u32 s1, $0xD;
	s1 =	sshrl.u32 s1, $0x2  }
0xb9: {  	s3 =	sand.u32 $0x4000, s31;
	s1 =	sadd.s32 s1, s30  }
0xba: {  	s0 =	sor.u32 s3, s0;
	s1 =	sshll.u32 s1, $0x11  }
0xbb: {  	s0 =	sor.u32 s1, s0  }
0xbc: {  	s0 =	sadd.s32 $0x8F2B, s0  }
0xbd: {  	[sflag:s0] =	ssyncadd.remote.s32 $0x1  }
0xbe: {  	_ =	sfence.sel $0xFFFF  }
0xbf: {  	[dreg:$0x0] =	wrdreg $0xFFFFFFFF;
	(pc) =	sbr.abs _section_cstart, $3  }
0xc0: {  	[dreg:$0x1] =	wrdreg $0xFFFFFFFF  }
0xc1: {  	_ =	task.clear_ibuf [dreg:s7], $0x2FFFF;
	_ =	strace $0x9FFFFFFF  }
0xc2: {  	(tm) =	ssettm $0x7FFFFFFF  }
0xc3: {  	_ =	shalt  }
tec
execute0_lowered:
.L_overlay_start_1:
0x0: {  	(tag) =	ssettag $0x1  }
0x1: {  	s1 =	srdreg.scid  }
0x2: {  	s1 =	sand.u32 $0x1, s1  }
0x3: {  	p0 =	seq.s32 s1, $0x1  }
.Ltmp0:
0x4: {  	_ = 	snop;
	(pc) =	sbr.rel @p0 .LBB2_6-.Ltmp0, $4  }
0x5: {  	s2 =	rddreg [dreg:$0x0]  }
0x6: {  	s3 =	rddreg [dreg:$0x1];
	s4 =	simm.s32 $0x0  }
0x7: {  	[smem:$0x7FF] =	sst s4  }
0x8: {  	s0 =	rddreg [dreg:$0x2];
	_ =	strace $0x80000047;
	s1 =	stileid.u32  }
0x9: {  	s5 =	sshll.u32 s1, $0x5  }
0xa: {  	s6 =	sshll.u32 s1, $0x8;
	s29 =	simm.s32 $0x2;
	s3 =	sadd.s32 s3, s5  }
0xb: {  	[tilespmem:s4], [sflag:$0x2] =	stream.linear.gather [hbm4b:s3+s4], $0x100, $0x38;
	[tilespmem:$0x580] =	vst v63  }
0xc: {  	v0 =	vmov s6;
	_ =	swait.ge [sflag:s29], $0x100  }
0xd: {  	v1 =	vmul.u32 $0x7D00, v0;
	[sflag:s29] =	ssyncset.done $0x0  }
0xe: {  	s4 =	simm.s32 $0x0;
	[sflag:s29] =	ssyncadd.s32 $0xFFFFFF00  }
0xf: {  	v2 =	vbroadcast v1, $0x0;
	v1 =	vld [tilespmem:s4+$0x0]  }
0x10: {  	v0 =	vlaneseq.u32  }
0x11: {  	s30 =	sshll.u32 s1, $0x4;
	v0 =	vmul.u32 $0x7D00, v0  }
0x12: {  	s31 =	sadd.s32 s30, s2;
	s5 =	simm.s32 $0x40  }
0x13: {  	s6 =	sadd.s32 $0x10, s6;
	s3 =	sadd.s32 $0x200, s2;
	s2 =	sadd.s32 $0xFA0200, s31;
	v2 =	vadd.s32 v0, v2  }
.LBB2_2:
0x14: {  	s7 =	sshra.s32 s5, $0x2;
	v3 =	vmov s6;
	p0 =	sne.s32 s5, $0x3C0;
	s5 =	sadd.s32 $0x40, s5;
	[tilespmem:s4+$0x200] =	vst v2;
	v2 =	vadd.s32 v2, v1  }
.Ltmp1:
0x15: {  	v1 =	vld [tilespmem:s7+$0x0];
	v3 =	vmul.u32 $0x7D00, v3;
	[tilespmem:s4+$0x100] =	vst v2;
	s4 =	smov.u32 s7;
	(pc) =	sbr.rel @p0 .LBB2_2-.Ltmp1, $3  }
0x16: {  	_ = 	snop  }
0x17: {  	v2 =	vbroadcast v3, $0x0;
	_ =	sdelay $0x1  }
0x18: {  	s6 =	sadd.s32 $0x10, s6;
	v2 =	vadd.s32 v0, v2  }
0x19: {  	[tilespmem:s4+$0x200] =	vst v2;
	v0 =	vadd.s32 v2, v1;
	s24 =	simm.s32 $0x80  }
0x1a: {  	s5 =	simm.s32 $0x100;
	s6 =	simm.s32 $0x300;
	s25 =	simm.s32 $0x1;
	[tilespmem:s4+$0x100] =	vst v0  }
0x1b: {  	[tilespmem:s6], [sflag:$0x1] =	stream.indirect.gather [hbm4b:s3+s24], $0x1, s5, s24, $0xb8;
	[tilespmem:$0x580] =	vst v63  }
0x1c: {  	_ =	swait.ge [sflag:s25], $0x80  }
0x1d: {  	[sflag:s25] =	ssyncset.done $0x0  }
0x1e: {  	s26 =	simm.s32 $0x180;
	s7 =	simm.s32 $0x380;
	[sflag:s25] =	ssyncadd.s32 $0xFFFFFF80  }
0x1f: {  	[tilespmem:s7], [sflag:$0x1] =	stream.indirect.gather [hbm4b:s3+s24], $0x1, s26, s24, $0xb8;
	[tilespmem:$0x580] =	vst v63  }
0x20: {  	_ =	swait.ge [sflag:s25], $0x80  }
0x21: {  	[sflag:s25] =	ssyncset.done $0x0  }
0x22: {  	s28 =	simm.s32 $0x200;
	s29 =	simm.s32 $0x400;
	[sflag:s25] =	ssyncadd.s32 $0xFFFFFF80  }
0x23: {  	[tilespmem:s29], [sflag:$0x1] =	stream.indirect.gather [hbm4b:s3+s24], $0x1, s28, s24, $0xb8;
	[tilespmem:$0x580] =	vst v63  }
0x24: {  	_ =	swait.ge [sflag:s25], $0x80  }
0x25: {  	[sflag:s25] =	ssyncset.done $0x0  }
0x26: {  	s30 =	simm.s32 $0x280;
	s31 =	simm.s32 $0x480;
	[sflag:s25] =	ssyncadd.s32 $0xFFFFFF80  }
0x27: {  	[tilespmem:s31], [sflag:$0x1] =	stream.indirect.gather [hbm4b:s3+s24], $0x1, s30, s24, $0xb8;
	[tilespmem:$0x580] =	vst v63  }
0x28: {  	_ =	swait.ge [sflag:s25], $0x80  }
0x29: {  	[sflag:s25] =	ssyncset.done $0x0  }
0x2a: {  	v0 =	vimm.f32 $0.0e+00;
	[sflag:s25] =	ssyncadd.s32 $0xFFFFFF80  }
0x2b: {  	v1 =	vimm.f32 $1.000000000e+00;
	s4 =	simm.s32 $0x0;
	s3 =	simm.s32 $0x40;
	[tilespmem:$0x500] =	vst v0  }
.LBB2_4:
0x2c: {  	p0 =	sne.s32 s3, $0x3C0;
	v2 =	vld [tilespmem:s4+$0x400];
	_ =	sdelay $0x1  }
0x2d: {  	v3 =	vld [tilespmem:s4+$0x300];
	_ =	sdelay $0x1  }
0x2e: {  	v4 =	vld [tilespmem:s4+$0x0]  }
0x2f: {  	v2 =	vmul.f32 $3.125195240e-06, v2;
	_ =	sdelay $0x1  }
0x30: {  	v2 =	vadd.f32 $-1.362425800e+00, v2;
	v3 =	vmul.f32 $-8.999968760e-01, v3;
	_ =	sdelay $0x1  }
0x31: {  	vm0 =	veq.s32 v4, $0x0;
	v2 =	vadd.f32 v3, v2  }
0x32: {  	v3 =	vsel vm0, $0x0, v1  }
.Ltmp2:
0x33: {  	v2 =	vmul.f32 v2, v3;
	(pc) =	sbr.rel @p0 .LBB2_4-.Ltmp2, $3  }
0x34: {  	_ = 	snop  }
0x35: {  	v0 =	vadd.f32 v2, v0;
	_ =	sdelay $0x1  }
0x36: {  	s4 =	sshra.s32 s3, $0x2;
	s3 =	sadd.s32 $0x40, s3;
	[tilespmem:$0x500] =	vst v0  }
0x37: {  	v2 =	vld [tilespmem:s4+$0x400];
	_ =	sdelay $0x1  }
0x38: {  	v3 =	vld [tilespmem:s4+$0x300];
	_ =	sdelay $0x1  }
0x39: {  	v4 =	vld [tilespmem:s4+$0x0]  }
0x3a: {  	v2 =	vmul.f32 $3.125195240e-06, v2;
	_ =	sdelay $0x1  }
0x3b: {  	v3 =	vmul.f32 $-8.999968760e-01, v3;
	v2 =	vadd.f32 $-1.362425800e+00, v2;
	_ =	sdelay $0x1  }
0x3c: {  	vm0 =	veq.s32 v4, $0x0;
	v2 =	vadd.f32 v3, v2  }
0x3d: {  	v1 =	vsel vm0, $0x0, v1  }
0x3e: {  	v1 =	vmul.f32 v2, v1;
	_ =	sdelay $0x1  }
0x3f: {  	v0 =	vadd.f32 v1, v0;
	_ =	sdelay $0x1  }
0x40: {  	s3 =	simm.s32 $0x0;
	s30 =	simm.s32 $0x500;
	s31 =	simm.s32 $0x2;
	[tilespmem:$0x500] =	vst v0  }
0x41: {  	[hbm4b:s2+s3] =	stream.linear.scatter [tilespmem:s30], [sflag:$0x2], $0x80, $0x38;
	[tilespmem:$0x580] =	vst v63  }
0x42: {  	_ =	swait.ge [sflag:s31], $0x80  }
0x43: {  	[sflag:s31] =	ssyncset.done $0x0  }
0x44: {  	[sflag:s31] =	ssyncadd.s32 $0xFFFFFF80  }
.LBB2_6:
0x45: {  	_ =	sfence.sel $0x180000  }
0x46: {  	[bflag:$0x0] =	sbarrier.arrive $0xFFFF  }
0x47: {  	p0 =	sne.s32 s1, $0x0;
	_ =	strace $0x90000047  }
0x48: {  	s0 =	sadd.s32 @!p0 $0x100000, s0;
	[bflag:$0x2] =	sbarrier.arrive $0xFFFF  }
0x49: {  	[sflag:s0] =	ssyncadd.tile.s32 @!p0 $0x1;
	_ =	shalt  }
.Lfunc_end2:
_tile_overlayer_lowered:
.L_overlay_start_2:
0x4a: {  	(tag) =	ssettag $0x2  }
0x4b: {  	s0 =	rddreg [dreg:$0x0];
	s2 =	stileid.u32  }
0x4c: {  	s1 =	rddreg [dreg:$0x1];
	p0 =	sne.s32 s2, $0x0  }
0x4d: {  	s3 =	rddreg [dreg:$0x2];
	[bflag:$0x3] =	sbarrier.arrive $0xFFFF;
	s2 =	simm.s32 @!p0 $0x1C02  }
0x4e: {  	[timem:s3], [sflag:s2] =	dma.local @!p0 [hbm:s0], s1  }
0x4f: {  	s0 =	simm.s32 @!p0 $0x2  }
0x50: {  	_ =	swait.ge @!p0 [sflag:s0], s1  }
0x51: {  	s1 =	ssub.s32 @!p0 $0x0, s1;
	[sflag:s0] =	ssyncset.done @!p0 $0x0  }
0x52: {  	[sflag:s0] =	ssyncadd.s32 @!p0 s1  }
0x53: {  	[bflag:$0x3] =	sbarrier.arrive $0xFFFF  }
0x54: {  	_ =	shalt  }

</sc_bundles>
